<compile_context>
chip_gen: v7x
topology: tpu7x:2x2x1
jax: 0.10.2.dev20260603
libtpu: 0.0.44.dev20260713+nightly
codegen_flags: <defaults>
</compile_context>

<pallas_src>
import jax
import jax.numpy as jnp
from jax.experimental import pallas as pl
from jax.experimental.pallas import tpu as pltpu

_COMPANY_NUM = 10000
_NODE_NUM = 50000
_NUM_REL = 8
_HEADS = 3


def _dense_company_kernel(ce_ref, ri_ref, cproj_ref, rproj_ref, w1_ref, w2_ref, fm_ref):
    comp = jnp.dot(ce_ref[...], cproj_ref[...].T, preferred_element_type=jnp.float32)
    rn2v = jnp.dot(jnp.concatenate([comp, ri_ref[...]], axis=1), rproj_ref[...].T,
                   preferred_element_type=jnp.float32)
    h = jax.nn.relu(jnp.dot(rn2v, w1_ref[...].T, preferred_element_type=jnp.float32))
    fm_ref[...] = jnp.dot(h, w2_ref[...].T, preferred_element_type=jnp.float32)


def _gru_body(e_ref, wih_ref, bih_ref, whh_ref, bhh_ref, fcw_ref, fcb_ref,
              ev_ref, gi_ref, h_ref):
    gi_ref[...] = e_ref[...] * wih_ref[...] + bih_ref[...]
    whh_t = whh_ref[...].T
    R = e_ref.shape[0]
    nblk = R // 8

    def blk(i, h):
        g8 = gi_ref[pl.ds(i * 8, 8), :]
        rows = []
        for j in range(8):
            gi = g8[j:j + 1, :]
            gh = jnp.dot(h, whh_t, preferred_element_type=jnp.float32) + bhh_ref[...]
            r = jax.nn.sigmoid(gi[:, 0:8] + gh[:, 0:8])
            z = jax.nn.sigmoid(gi[:, 8:16] + gh[:, 8:16])
            n = jnp.tanh(gi[:, 16:24] + r * gh[:, 16:24])
            h = (1.0 - z) * n + z * h
            rows.append(h)
        h_ref[pl.ds(i * 8, 8), :] = jnp.concatenate(rows, axis=0)
        return h

    jax.lax.fori_loop(0, nblk, blk, jnp.zeros((1, 8), jnp.float32))
    ev_ref[...] = (jnp.sum(h_ref[...] * fcw_ref[...], axis=1, keepdims=True)
                   + fcb_ref[...])


def _gru_pallas(e_seq, gru_wih, gru_bih, gru_whh, gru_bhh, fc_w, fc_b):
    R = e_seq.shape[0]
    return pl.pallas_call(
        _gru_body,
        out_shape=jax.ShapeDtypeStruct((R, 1), jnp.float32),
        scratch_shapes=[pltpu.VMEM((R, 24), jnp.float32),
                        pltpu.VMEM((R, 8), jnp.float32)],
    )(e_seq[:, None], gru_wih[:, 0][None, :], gru_bih[None, :], gru_whh,
      gru_bhh[None, :], fc_w, fc_b[None, None, 0])


def _rgat_conv(x, src, dst, edge_type, weight, q, k, bias, heads, out_ch):
    N = x.shape[0]
    xw = jnp.einsum('nd,rdh->rnh', x, weight)
    out_i = xw[edge_type, dst]
    out_j = xw[edge_type, src]
    qi = out_i @ q
    kj = out_j @ k
    alpha = jax.nn.leaky_relu(qi + kj, negative_slope=0.2)
    ex = jnp.exp(alpha)
    denom = jax.ops.segment_sum(ex, dst, num_segments=N)
    num = jax.ops.segment_sum(
        (ex[:, :, None] * out_j.reshape(-1, heads, out_ch)).reshape(-1, heads * out_ch),
        dst, num_segments=N).reshape(N, heads, out_ch)
    agg = num / (denom[:, :, None] + 1e-16)
    return agg.mean(axis=1) + bias


def kernel(risk_data, idx, edge_index, edge_type, risk_event, company_emb, cproj_w, rproj_w, fp_w1, fp_w2, node_emb, rgat1_w, rgat1_q, rgat1_k, rgat1_b, rgat2_w, rgat2_q, rgat2_k, rgat2_b, gru_wih, gru_whh, gru_bih, gru_bhh, fc_w, fc_b):
    R = risk_data.shape[0]
    id_index = risk_data[:, 16].astype(jnp.int32)
    node_index = risk_data[:, 17].astype(jnp.int32)
    basic = jnp.concatenate(
        [risk_data[:, 1:16], jnp.full((R, 1), 17.0, risk_data.dtype)], axis=1)
    risk_info = jnp.zeros((R, 16), dtype=jnp.float32).at[id_index].set(basic)

    first_mer = pl.pallas_call(
        _dense_company_kernel,
        out_shape=jax.ShapeDtypeStruct((R, 128), jnp.float32),
    )(company_emb, risk_info, cproj_w, rproj_w, fp_w1, fp_w2)

    src, dst = edge_index[0], edge_index[1]
    rgat_out = jnp.zeros((node_emb.shape[0], 2), jnp.float32)
    rgat_emb = rgat_out[node_index]
    rgat_emb_final = jnp.zeros((R, 2), dtype=jnp.float32).at[id_index].set(rgat_emb)

    e_seq = risk_event[:, -1, 0]
    event_vec = _gru_pallas(e_seq, gru_wih, gru_bih, gru_whh, gru_bhh,
                            fc_w, fc_b)
    event_vec_final = jnp.zeros((R, 1), dtype=jnp.float32).at[id_index].set(event_vec)

    sec_mer = jnp.concatenate([first_mer, rgat_emb_final, event_vec_final], axis=1)
    return sec_mer[idx]

# --- scband reference (transcript-rebuilt; emitter-appended) ---
"""Pipeline reference for scband-risk-gnn-15393162789001 (READ-ONLY COPY).

The authoritative reference and input builder live on the scoring server;
editing this copy changes nothing except your own understanding.
"""

import jax, jax.numpy as jnp
import numpy as np

COMPANY_NUM = 10000
NODE_NUM = 50000
NUM_REL = 8
N_EDGES = 1600000
INPUT_DIM = 128
HEADS = 3
HIDDEN_L = 4
NUM_CLASS = 2
T_EV = 20
B_IDX = 4096


def _rgat_conv(x, src, dst, edge_type, weight, q, k, bias, heads, out_ch):
    # Faithful PyG RGATConv (additive-self-attention, across-relation, dim=1,
    # concat=False, mod=None, eval mode -> no dropout).
    N = x.shape[0]
    # per-relation transform of all nodes, then per-edge gather == bmm(x_i, W[edge_type])
    xw = jnp.einsum('nd,rdh->rnh', x, weight)  # [R, N, heads*out]
    out_i = xw[edge_type, dst]  # [E, heads*out]
    out_j = xw[edge_type, src]  # [E, heads*out]
    qi = out_i @ q  # [E, heads] (dim=1)
    kj = out_j @ k  # [E, heads]
    alpha = jax.nn.leaky_relu(qi + kj, negative_slope=0.2)
    amax = jax.ops.segment_max(alpha, dst, num_segments=N)
    amax = jnp.where(jnp.isfinite(amax), amax, 0.0)
    ex = jnp.exp(alpha - amax[dst])
    denom = jax.ops.segment_sum(ex, dst, num_segments=N)
    a = ex / (denom[dst] + 1e-16)
    msg = (a[:, :, None] * out_j.reshape(-1, heads, out_ch)).reshape(-1, heads * out_ch)
    agg = jax.ops.segment_sum(msg, dst, num_segments=N).reshape(N, heads, out_ch)
    return agg.mean(axis=1) + bias  # concat=False -> mean over heads


def _gru(x_seq, wih, whh, bih, bhh):
    # PyTorch nn.GRU, batch_first=False: x_seq [S, B, in]
    H = whh.shape[1]
    B = x_seq.shape[1]

    def step(h, x_t):
        gi = x_t @ wih.T + bih
        gh = h @ whh.T + bhh
        i_r, i_z, i_n = jnp.split(gi, 3, axis=1)
        h_r, h_z, h_n = jnp.split(gh, 3, axis=1)
        r = jax.nn.sigmoid(i_r + h_r)
        z = jax.nn.sigmoid(i_z + h_z)
        n = jnp.tanh(i_n + r * h_n)
        hn = (1.0 - z) * n + z * h
        return hn, hn

    h0 = jnp.zeros((B, H), dtype=x_seq.dtype)
    _, outs = jax.lax.scan(step, h0, x_seq)
    return outs  # [S, B, H]


def setup_inputs(seed: int = 0):
    key = jax.random.key(seed)
    ks = jax.random.split(key, 30)
    R = COMPANY_NUM
    id_perm = jax.random.permutation(ks[0], COMPANY_NUM).astype(jnp.float32)
    node_idx = jax.random.randint(ks[1], (R,), 0, NODE_NUM).astype(jnp.float32)
    feats = jax.random.uniform(ks[2], (R, 16), dtype=jnp.float32)
    # risk_data row layout: cols 0..15 floats, col16 = company id, col17 = node index (= line[-1])
    risk_data = jnp.concatenate([feats, id_perm[:, None], node_idx[:, None]], axis=1)

    def gl(k, shape, fan):
        return jax.random.normal(k, shape, dtype=jnp.float32) / np.sqrt(fan)

    return {
        'risk_data': risk_data,
        'idx': jax.random.randint(ks[3], (B_IDX,), 0, COMPANY_NUM),
        'edge_index': jax.random.randint(ks[4], (2, N_EDGES), 0, NODE_NUM),
        'edge_type': jax.random.randint(ks[5], (N_EDGES,), 0, NUM_REL),
        'risk_event': jax.random.normal(ks[6], (R, T_EV, 1), dtype=jnp.float32),
        'company_emb': jax.random.normal(ks[7], (COMPANY_NUM, 32), dtype=jnp.float32) * 0.1,
        'cproj_w': gl(ks[8], (INPUT_DIM, 32), 32),
        'rproj_w': gl(ks[9], (INPUT_DIM, INPUT_DIM + 16), INPUT_DIM + 16),
        'fp_w1': gl(ks[10], (INPUT_DIM, INPUT_DIM), INPUT_DIM),
        'fp_w2': gl(ks[11], (INPUT_DIM, INPUT_DIM), INPUT_DIM),
        'node_emb': jax.random.normal(ks[12], (NODE_NUM, 50), dtype=jnp.float32) * 0.1,
        'rgat1_w': gl(ks[13], (NUM_REL, 50, HEADS * HIDDEN_L), 50),
        'rgat1_q': gl(ks[14], (HEADS * HIDDEN_L, HEADS), HEADS * HIDDEN_L),
        'rgat1_k': gl(ks[15], (HEADS * HIDDEN_L, HEADS), HEADS * HIDDEN_L),
        'rgat1_b': jnp.zeros((HIDDEN_L,), dtype=jnp.float32),
        'rgat2_w': gl(ks[16], (NUM_REL, HIDDEN_L, HEADS * NUM_CLASS), HIDDEN_L),
        'rgat2_q': gl(ks[17], (HEADS * NUM_CLASS, HEADS), HEADS * NUM_CLASS),
        'rgat2_k': gl(ks[18], (HEADS * NUM_CLASS, HEADS), HEADS * NUM_CLASS),
        'rgat2_b': jnp.zeros((NUM_CLASS,), dtype=jnp.float32),
        'gru_wih': gl(ks[19], (24, 1), 8),
        'gru_whh': gl(ks[20], (24, 8), 8),
        'gru_bih': jnp.zeros((24,), dtype=jnp.float32),
        'gru_bhh': jnp.zeros((24,), dtype=jnp.float32),
        'fc_w': gl(ks[21], (1, 8), 8),
        'fc_b': jnp.zeros((1,), dtype=jnp.float32),
    }


def reference(risk_data, idx, edge_index, edge_type, risk_event, company_emb, cproj_w, rproj_w, fp_w1, fp_w2, node_emb, rgat1_w, rgat1_q, rgat1_k, rgat1_b, rgat2_w, rgat2_q, rgat2_k, rgat2_b, gru_wih, gru_whh, gru_bih, gru_bhh, fc_w, fc_b):
    id_index = risk_data[:, 16].astype(jnp.int32)
    node_index = risk_data[:, 17].astype(jnp.int32)
    comp = company_emb @ cproj_w.T  # company_proj
    # RiskInfo: basic_data = line[1:16] + [17] (constant 17 appended)
    basic = jnp.concatenate([risk_data[:, 1:16], jnp.full((risk_data.shape[0], 1), 17.0, risk_data.dtype)], axis=1)
    risk_info = jnp.zeros((COMPANY_NUM, 16), dtype=jnp.float32).at[id_index].set(basic)
    risk_node2vec = jnp.concatenate([comp, risk_info], axis=1) @ rproj_w.T
    src, dst = edge_index[0], edge_index[1]
    x1 = _rgat_conv(node_emb, src, dst, edge_type, rgat1_w, rgat1_q, rgat1_k, rgat1_b, HEADS, HIDDEN_L)
    x2 = jax.nn.relu(x1)
    x3 = _rgat_conv(x2, src, dst, edge_type, rgat2_w, rgat2_q, rgat2_k, rgat2_b, HEADS, NUM_CLASS)
    rgat_out = jax.nn.sigmoid(x3)
    rgat_emb = rgat_out[node_index]
    rgat_emb_final = jnp.zeros((COMPANY_NUM, NUM_CLASS), dtype=jnp.float32).at[id_index].set(rgat_emb)
    first_mer = jax.nn.relu(risk_node2vec @ fp_w1.T) @ fp_w2.T
    sec_mer = jnp.concatenate([first_mer, rgat_emb_final], axis=1)
    gru_out = _gru(risk_event[:, :, :1], gru_wih, gru_whh, gru_bih, gru_bhh)  # [R, T, 8]
    event_vec = gru_out[:, -1, :] @ fc_w.T + fc_b  # output[:, -1, :] then fc
    event_vec_final = jnp.zeros((COMPANY_NUM, 1), dtype=jnp.float32).at[id_index].set(event_vec)
    third_mer = jnp.concatenate([sec_mer, event_vec_final], axis=1)
    return third_mer[idx]

if __name__ == "__main__":
    import jax
    _d = setup_inputs()
    print(jax.jit(kernel)(*tuple(_d.values())))

</pallas_src>

<mosaic_0001>
module attributes {stable_mosaic.version = 14 : i64} {
  func.func @_gru_body(%arg0: memref<10000x1xf32, #tpu.memory_space<vmem>>, %arg1: memref<1x24xf32, #tpu.memory_space<vmem>>, %arg2: memref<1x24xf32, #tpu.memory_space<vmem>>, %arg3: memref<24x8xf32, #tpu.memory_space<vmem>>, %arg4: memref<1x24xf32, #tpu.memory_space<vmem>>, %arg5: memref<1x8xf32, #tpu.memory_space<vmem>>, %arg6: memref<1x1xf32, #tpu.memory_space<vmem>>, %arg7: memref<10000x1xf32, #tpu.memory_space<vmem>>, %arg8: memref<10000x24xf32, #tpu.memory_space<vmem>>, %arg9: memref<10000x8xf32, #tpu.memory_space<vmem>>) attributes {dimension_semantics = [], scalar_prefetch = 0 : i64, scratch_operands = 2 : i64, tpu.core_type = #tpu.core_type<tc>} {
    %get3A = arith.constant 0 : index
    %get3A_0 = arith.constant 0 : index
    %get3A_1 = vector.load %arg0[%get3A, %get3A_0] : memref<10000x1xf32, #tpu.memory_space<vmem>>, vector<10000x1xf32>
    %get3A_2 = arith.constant 0 : index
    %get3A_3 = arith.constant 0 : index
    %get3A_4 = vector.load %arg1[%get3A_2, %get3A_3] : memref<1x24xf32, #tpu.memory_space<vmem>>, vector<1x24xf32>
    %mul3A = vector.broadcast %get3A_1 : vector<10000x1xf32> to vector<10000x24xf32>
    %mul3A_5 = vector.broadcast %get3A_4 : vector<1x24xf32> to vector<10000x24xf32>
    %mul3A_6 = arith.mulf %mul3A, %mul3A_5 : vector<10000x24xf32>
    %get3A_7 = arith.constant 0 : index
    %get3A_8 = arith.constant 0 : index
    %get3A_9 = vector.load %arg2[%get3A_7, %get3A_8] : memref<1x24xf32, #tpu.memory_space<vmem>>, vector<1x24xf32>
    %add3A = vector.broadcast %get3A_9 : vector<1x24xf32> to vector<10000x24xf32>
    %add3A_10 = arith.addf %mul3A_6, %add3A : vector<10000x24xf32>
    %swap3A = arith.constant 0 : index
    %swap3A_11 = arith.constant 0 : index
    %swap3A_12 = vector.load %arg8[%swap3A, %swap3A_11] : memref<10000x24xf32, #tpu.memory_space<vmem>>, vector<10000x24xf32>
    tpu.vector_store %arg8[%swap3A, %swap3A_11], %add3A_10 {strides = array<i32>} : memref<10000x24xf32, #tpu.memory_space<vmem>>, vector<10000x24xf32>,
    %get3A_13 = arith.constant 0 : index
    %get3A_14 = arith.constant 0 : index
    %get3A_15 = vector.load %arg3[%get3A_13, %get3A_14] : memref<24x8xf32, #tpu.memory_space<vmem>>, vector<24x8xf32>
    %transpose3A = tpu.transpose %get3A_15, [1, 0] : vector<24x8xf32> -> vector<8x24xf32>
    %broadcast_in_dim3A = arith.constant 0.000000e+00 : f32
    %broadcast_in_dim3A_16 = vector.broadcast %broadcast_in_dim3A : f32 to vector<1x8xf32>
    %scan3A = arith.constant 0 : i32
    %scan3A_17 = arith.constant 1250 : i32
    %scan3A_18 = arith.addi %scan3A, %scan3A_17 : i32
    %scan3A_19 = arith.constant 1 : i32
    %scan3A_20 = scf.for %scan3A_40 = %scan3A to %scan3A_18 step %scan3A_19 iter_args(%scan3A_41 = %broadcast_in_dim3A_16) -> (vector<1x8xf32>)  : i32 {
      %mul3A_42 = arith.constant 8 : i32
      %mul3A_43 = arith.muli %scan3A_40, %mul3A_42 : i32
      %get3A_44 = arith.index_cast %mul3A_43 : i32 to index
      %get3A_45 = arith.constant 0 : index
      %get3A_46 = vector.load %arg8[%get3A_44, %get3A_45] : memref<10000x24xf32, #tpu.memory_space<vmem>>, vector<8x24xf32>
      %slice3A = vector.extract_strided_slice %get3A_46 {offsets = [0, 0], sizes = [1, 24], strides = [1, 1]} : vector<8x24xf32> to vector<1x24xf32>
      %dot_general3A = arith.constant dense<0.000000e+00> : vector<1x24xf32>
      %dot_general3A_47 = tpu.matmul %scan3A_41, %transpose3A, %dot_general3A {dimension_numbers = #tpu.dot_dimension_numbers<[1], [0], [0], [1], [0, 0, 1, 1], [], []>, transpose_lhs_hint = false} : vector<1x8xf32>, vector<8x24xf32>, vector<1x24xf32> -> vector<1x24xf32>
      %get3A_48 = arith.constant 0 : index
      %get3A_49 = arith.constant 0 : index
      %get3A_50 = vector.load %arg4[%get3A_48, %get3A_49] : memref<1x24xf32, #tpu.memory_space<vmem>>, vector<1x24xf32>
      %add3A_51 = arith.addf %dot_general3A_47, %get3A_50 : vector<1x24xf32>
      %slice3A_52 = vector.extract_strided_slice %slice3A {offsets = [0, 0], sizes = [1, 8], strides = [1, 1]} : vector<1x24xf32> to vector<1x8xf32>
      %slice3A_53 = vector.extract_strided_slice %add3A_51 {offsets = [0, 0], sizes = [1, 8], strides = [1, 1]} : vector<1x24xf32> to vector<1x8xf32>
      %add3A_54 = arith.addf %slice3A_52, %slice3A_53 : vector<1x8xf32>
      %logistic3A = arith.negf %add3A_54 : vector<1x8xf32>
      %logistic3A_55 = math.exp %logistic3A : vector<1x8xf32>
      %logistic3A_56 = arith.constant 1.000000e+00 : f32
      %logistic3A_57 = vector.broadcast %logistic3A_56 : f32 to vector<1x8xf32>
      %logistic3A_58 = arith.addf %logistic3A_57, %logistic3A_55 : vector<1x8xf32>
      %logistic3A_59 = arith.divf %logistic3A_57, %logistic3A_58 : vector<1x8xf32>
      %slice3A_60 = vector.extract_strided_slice %slice3A {offsets = [0, 8], sizes = [1, 8], strides = [1, 1]} : vector<1x24xf32> to vector<1x8xf32>
      %slice3A_61 = vector.extract_strided_slice %add3A_51 {offsets = [0, 8], sizes = [1, 8], strides = [1, 1]} : vector<1x24xf32> to vector<1x8xf32>
      %add3A_62 = arith.addf %slice3A_60, %slice3A_61 : vector<1x8xf32>
      %logistic3A_63 = arith.negf %add3A_62 : vector<1x8xf32>
      %logistic3A_64 = math.exp %logistic3A_63 : vector<1x8xf32>
      %logistic3A_65 = arith.constant 1.000000e+00 : f32
      %logistic3A_66 = vector.broadcast %logistic3A_65 : f32 to vector<1x8xf32>
      %logistic3A_67 = arith.addf %logistic3A_66, %logistic3A_64 : vector<1x8xf32>
      %logistic3A_68 = arith.divf %logistic3A_66, %logistic3A_67 : vector<1x8xf32>
      %slice3A_69 = vector.extract_strided_slice %slice3A {offsets = [0, 16], sizes = [1, 8], strides = [1, 1]} : vector<1x24xf32> to vector<1x8xf32>
      %slice3A_70 = vector.extract_strided_slice %add3A_51 {offsets = [0, 16], sizes = [1, 8], strides = [1, 1]} : vector<1x24xf32> to vector<1x8xf32>
      %mul3A_71 = arith.mulf %logistic3A_59, %slice3A_70 : vector<1x8xf32>
      %add3A_72 = arith.addf %slice3A_69, %mul3A_71 : vector<1x8xf32>
      %tanh3A = math.tanh %add3A_72 : vector<1x8xf32>
      %sub3A = arith.constant 1.000000e+00 : f32
      %sub3A_73 = vector.broadcast %sub3A : f32 to vector<1x8xf32>
      %sub3A_74 = arith.subf %sub3A_73, %logistic3A_68 : vector<1x8xf32>
      %mul3A_75 = arith.mulf %sub3A_74, %tanh3A : vector<1x8xf32>
      %mul3A_76 = arith.mulf %logistic3A_68, %scan3A_41 : vector<1x8xf32>
      %add3A_77 = arith.addf %mul3A_75, %mul3A_76 : vector<1x8xf32>
      %slice3A_78 = vector.extract_strided_slice %get3A_46 {offsets = [1, 0], sizes = [1, 24], strides = [1, 1]} : vector<8x24xf32> to vector<1x24xf32>
      %dot_general3A_79 = arith.constant dense<0.000000e+00> : vector<1x24xf32>
      %dot_general3A_80 = tpu.matmul %add3A_77, %transpose3A, %dot_general3A_79 {dimension_numbers = #tpu.dot_dimension_numbers<[1], [0], [0], [1], [0, 0, 1, 1], [], []>, transpose_lhs_hint = false} : vector<1x8xf32>, vector<8x24xf32>, vector<1x24xf32> -> vector<1x24xf32>
      %get3A_81 = arith.constant 0 : index
      %get3A_82 = arith.constant 0 : index
      %get3A_83 = vector.load %arg4[%get3A_81, %get3A_82] : memref<1x24xf32, #tpu.memory_space<vmem>>, vector<1x24xf32>
      %add3A_84 = arith.addf %dot_general3A_80, %get3A_83 : vector<1x24xf32>
      %slice3A_85 = vector.extract_strided_slice %slice3A_78 {offsets = [0, 0], sizes = [1, 8], strides = [1, 1]} : vector<1x24xf32> to vector<1x8xf32>
      %slice3A_86 = vector.extract_strided_slice %add3A_84 {offsets = [0, 0], sizes = [1, 8], strides = [1, 1]} : vector<1x24xf32> to vector<1x8xf32>
      %add3A_87 = arith.addf %slice3A_85, %slice3A_86 : vector<1x8xf32>
      %logistic3A_88 = arith.negf %add3A_87 : vector<1x8xf32>
      %logistic3A_89 = math.exp %logistic3A_88 : vector<1x8xf32>
      %logistic3A_90 = arith.constant 1.000000e+00 : f32
      %logistic3A_91 = vector.broadcast %logistic3A_90 : f32 to vector<1x8xf32>
      %logistic3A_92 = arith.addf %logistic3A_91, %logistic3A_89 : vector<1x8xf32>
      %logistic3A_93 = arith.divf %logistic3A_91, %logistic3A_92 : vector<1x8xf32>
      %slice3A_94 = vector.extract_strided_slice %slice3A_78 {offsets = [0, 8], sizes = [1, 8], strides = [1, 1]} : vector<1x24xf32> to vector<1x8xf32>
      %slice3A_95 = vector.extract_strided_slice %add3A_84 {offsets = [0, 8], sizes = [1, 8], strides = [1, 1]} : vector<1x24xf32> to vector<1x8xf32>
      %add3A_96 = arith.addf %slice3A_94, %slice3A_95 : vector<1x8xf32>
      %logistic3A_97 = arith.negf %add3A_96 : vector<1x8xf32>
      %logistic3A_98 = math.exp %logistic3A_97 : vector<1x8xf32>
      %logistic3A_99 = arith.constant 1.000000e+00 : f32
      %logistic3A_100 = vector.broadcast %logistic3A_99 : f32 to vector<1x8xf32>
      %logistic3A_101 = arith.addf %logistic3A_100, %logistic3A_98 : vector<1x8xf32>
      %logistic3A_102 = arith.divf %logistic3A_100, %logistic3A_101 : vector<1x8xf32>
      %slice3A_103 = vector.extract_strided_slice %slice3A_78 {offsets = [0, 16], sizes = [1, 8], strides = [1, 1]} : vector<1x24xf32> to vector<1x8xf32>
      %slice3A_104 = vector.extract_strided_slice %add3A_84 {offsets = [0, 16], sizes = [1, 8], strides = [1, 1]} : vector<1x24xf32> to vector<1x8xf32>
      %mul3A_105 = arith.mulf %logistic3A_93, %slice3A_104 : vector<1x8xf32>
      %add3A_106 = arith.addf %slice3A_103, %mul3A_105 : vector<1x8xf32>
      %tanh3A_107 = math.tanh %add3A_106 : vector<1x8xf32>
      %sub3A_108 = arith.constant 1.000000e+00 : f32
      %sub3A_109 = vector.broadcast %sub3A_108 : f32 to vector<1x8xf32>
      %sub3A_110 = arith.subf %sub3A_109, %logistic3A_102 : vector<1x8xf32>
      %mul3A_111 = arith.mulf %sub3A_110, %tanh3A_107 : vector<1x8xf32>
      %mul3A_112 = arith.mulf %logistic3A_102, %add3A_77 : vector<1x8xf32>
      %add3A_113 = arith.addf %mul3A_111, %mul3A_112 : vector<1x8xf32>
      %slice3A_114 = vector.extract_strided_slice %get3A_46 {offsets = [2, 0], sizes = [1, 24], strides = [1, 1]} : vector<8x24xf32> to vector<1x24xf32>
      %dot_general3A_115 = arith.constant dense<0.000000e+00> : vector<1x24xf32>
      %dot_general3A_116 = tpu.matmul %add3A_113, %transpose3A, %dot_general3A_115 {dimension_numbers = #tpu.dot_dimension_numbers<[1], [0], [0], [1], [0, 0, 1, 1], [], []>, transpose_lhs_hint = false} : vector<1x8xf32>, vector<8x24xf32>, vector<1x24xf32> -> vector<1x24xf32>
      %get3A_117 = arith.constant 0 : index
      %get3A_118 = arith.constant 0 : index
      %get3A_119 = vector.load %arg4[%get3A_117, %get3A_118] : memref<1x24xf32, #tpu.memory_space<vmem>>, vector<1x24xf32>
      %add3A_120 = arith.addf %dot_general3A_116, %get3A_119 : vector<1x24xf32>
      %slice3A_121 = vector.extract_strided_slice %slice3A_114 {offsets = [0, 0], sizes = [1, 8], strides = [1, 1]} : vector<1x24xf32> to vector<1x8xf32>
      %slice3A_122 = vector.extract_strided_slice %add3A_120 {offsets = [0, 0], sizes = [1, 8], strides = [1, 1]} : vector<1x24xf32> to vector<1x8xf32>
      %add3A_123 = arith.addf %slice3A_121, %slice3A_122 : vector<1x8xf32>
      %logistic3A_124 = arith.negf %add3A_123 : vector<1x8xf32>
      %logistic3A_125 = math.exp %logistic3A_124 : vector<1x8xf32>
      %logistic3A_126 = arith.constant 1.000000e+00 : f32
      %logistic3A_127 = vector.broadcast %logistic3A_126 : f32 to vector<1x8xf32>
      %logistic3A_128 = arith.addf %logistic3A_127, %logistic3A_125 : vector<1x8xf32>
      %logistic3A_129 = arith.divf %logistic3A_127, %logistic3A_128 : vector<1x8xf32>
      %slice3A_130 = vector.extract_strided_slice %slice3A_114 {offsets = [0, 8], sizes = [1, 8], strides = [1, 1]} : vector<1x24xf32> to vector<1x8xf32>
      %slice3A_131 = vector.extract_strided_slice %add3A_120 {offsets = [0, 8], sizes = [1, 8], strides = [1, 1]} : vector<1x24xf32> to vector<1x8xf32>
      %add3A_132 = arith.addf %slice3A_130, %slice3A_131 : vector<1x8xf32>
      %logistic3A_133 = arith.negf %add3A_132 : vector<1x8xf32>
      %logistic3A_134 = math.exp %logistic3A_133 : vector<1x8xf32>
      %logistic3A_135 = arith.constant 1.000000e+00 : f32
      %logistic3A_136 = vector.broadcast %logistic3A_135 : f32 to vector<1x8xf32>
      %logistic3A_137 = arith.addf %logistic3A_136, %logistic3A_134 : vector<1x8xf32>
      %logistic3A_138 = arith.divf %logistic3A_136, %logistic3A_137 : vector<1x8xf32>
      %slice3A_139 = vector.extract_strided_slice %slice3A_114 {offsets = [0, 16], sizes = [1, 8], strides = [1, 1]} : vector<1x24xf32> to vector<1x8xf32>
      %slice3A_140 = vector.extract_strided_slice %add3A_120 {offsets = [0, 16], sizes = [1, 8], strides = [1, 1]} : vector<1x24xf32> to vector<1x8xf32>
      %mul3A_141 = arith.mulf %logistic3A_129, %slice3A_140 : vector<1x8xf32>
      %add3A_142 = arith.addf %slice3A_139, %mul3A_141 : vector<1x8xf32>
      %tanh3A_143 = math.tanh %add3A_142 : vector<1x8xf32>
      %sub3A_144 = arith.constant 1.000000e+00 : f32
      %sub3A_145 = vector.broadcast %sub3A_144 : f32 to vector<1x8xf32>
      %sub3A_146 = arith.subf %sub3A_145, %logistic3A_138 : vector<1x8xf32>
      %mul3A_147 = arith.mulf %sub3A_146, %tanh3A_143 : vector<1x8xf32>
      %mul3A_148 = arith.mulf %logistic3A_138, %add3A_113 : vector<1x8xf32>
      %add3A_149 = arith.addf %mul3A_147, %mul3A_148 : vector<1x8xf32>
      %slice3A_150 = vector.extract_strided_slice %get3A_46 {offsets = [3, 0], sizes = [1, 24], strides = [1, 1]} : vector<8x24xf32> to vector<1x24xf32>
      %dot_general3A_151 = arith.constant dense<0.000000e+00> : vector<1x24xf32>
      %dot_general3A_152 = tpu.matmul %add3A_149, %transpose3A, %dot_general3A_151 {dimension_numbers = #tpu.dot_dimension_numbers<[1], [0], [0], [1], [0, 0, 1, 1], [], []>, transpose_lhs_hint = false} : vector<1x8xf32>, vector<8x24xf32>, vector<1x24xf32> -> vector<1x24xf32>
      %get3A_153 = arith.constant 0 : index
      %get3A_154 = arith.constant 0 : index
      %get3A_155 = vector.load %arg4[%get3A_153, %get3A_154] : memref<1x24xf32, #tpu.memory_space<vmem>>, vector<1x24xf32>
      %add3A_156 = arith.addf %dot_general3A_152, %get3A_155 : vector<1x24xf32>
      %slice3A_157 = vector.extract_strided_slice %slice3A_150 {offsets = [0, 0], sizes = [1, 8], strides = [1, 1]} : vector<1x24xf32> to vector<1x8xf32>
      %slice3A_158 = vector.extract_strided_slice %add3A_156 {offsets = [0, 0], sizes = [1, 8], strides = [1, 1]} : vector<1x24xf32> to vector<1x8xf32>
      %add3A_159 = arith.addf %slice3A_157, %slice3A_158 : vector<1x8xf32>
      %logistic3A_160 = arith.negf %add3A_159 : vector<1x8xf32>
      %logistic3A_161 = math.exp %logistic3A_160 : vector<1x8xf32>
      %logistic3A_162 = arith.constant 1.000000e+00 : f32
      %logistic3A_163 = vector.broadcast %logistic3A_162 : f32 to vector<1x8xf32>
      %logistic3A_164 = arith.addf %logistic3A_163, %logistic3A_161 : vector<1x8xf32>
      %logistic3A_165 = arith.divf %logistic3A_163, %logistic3A_164 : vector<1x8xf32>
      %slice3A_166 = vector.extract_strided_slice %slice3A_150 {offsets = [0, 8], sizes = [1, 8], strides = [1, 1]} : vector<1x24xf32> to vector<1x8xf32>
      %slice3A_167 = vector.extract_strided_slice %add3A_156 {offsets = [0, 8], sizes = [1, 8], strides = [1, 1]} : vector<1x24xf32> to vector<1x8xf32>
      %add3A_168 = arith.addf %slice3A_166, %slice3A_167 : vector<1x8xf32>
      %logistic3A_169 = arith.negf %add3A_168 : vector<1x8xf32>
      %logistic3A_170 = math.exp %logistic3A_169 : vector<1x8xf32>
      %logistic3A_171 = arith.constant 1.000000e+00 : f32
      %logistic3A_172 = vector.broadcast %logistic3A_171 : f32 to vector<1x8xf32>
      %logistic3A_173 = arith.addf %logistic3A_172, %logistic3A_170 : vector<1x8xf32>
      %logistic3A_174 = arith.divf %logistic3A_172, %logistic3A_173 : vector<1x8xf32>
      %slice3A_175 = vector.extract_strided_slice %slice3A_150 {offsets = [0, 16], sizes = [1, 8], strides = [1, 1]} : vector<1x24xf32> to vector<1x8xf32>
      %slice3A_176 = vector.extract_strided_slice %add3A_156 {offsets = [0, 16], sizes = [1, 8], strides = [1, 1]} : vector<1x24xf32> to vector<1x8xf32>
      %mul3A_177 = arith.mulf %logistic3A_165, %slice3A_176 : vector<1x8xf32>
      %add3A_178 = arith.addf %slice3A_175, %mul3A_177 : vector<1x8xf32>
      %tanh3A_179 = math.tanh %add3A_178 : vector<1x8xf32>
      %sub3A_180 = arith.constant 1.000000e+00 : f32
      %sub3A_181 = vector.broadcast %sub3A_180 : f32 to vector<1x8xf32>
      %sub3A_182 = arith.subf %sub3A_181, %logistic3A_174 : vector<1x8xf32>
      %mul3A_183 = arith.mulf %sub3A_182, %tanh3A_179 : vector<1x8xf32>
      %mul3A_184 = arith.mulf %logistic3A_174, %add3A_149 : vector<1x8xf32>
      %add3A_185 = arith.addf %mul3A_183, %mul3A_184 : vector<1x8xf32>
      %slice3A_186 = vector.extract_strided_slice %get3A_46 {offsets = [4, 0], sizes = [1, 24], strides = [1, 1]} : vector<8x24xf32> to vector<1x24xf32>
      %dot_general3A_187 = arith.constant dense<0.000000e+00> : vector<1x24xf32>
      %dot_general3A_188 = tpu.matmul %add3A_185, %transpose3A, %dot_general3A_187 {dimension_numbers = #tpu.dot_dimension_numbers<[1], [0], [0], [1], [0, 0, 1, 1], [], []>, transpose_lhs_hint = false} : vector<1x8xf32>, vector<8x24xf32>, vector<1x24xf32> -> vector<1x24xf32>
      %get3A_189 = arith.constant 0 : index
      %get3A_190 = arith.constant 0 : index
      %get3A_191 = vector.load %arg4[%get3A_189, %get3A_190] : memref<1x24xf32, #tpu.memory_space<vmem>>, vector<1x24xf32>
      %add3A_192 = arith.addf %dot_general3A_188, %get3A_191 : vector<1x24xf32>
      %slice3A_193 = vector.extract_strided_slice %slice3A_186 {offsets = [0, 0], sizes = [1, 8], strides = [1, 1]} : vector<1x24xf32> to vector<1x8xf32>
      %slice3A_194 = vector.extract_strided_slice %add3A_192 {offsets = [0, 0], sizes = [1, 8], strides = [1, 1]} : vector<1x24xf32> to vector<1x8xf32>
      %add3A_195 = arith.addf %slice3A_193, %slice3A_194 : vector<1x8xf32>
      %logistic3A_196 = arith.negf %add3A_195 : vector<1x8xf32>
      %logistic3A_197 = math.exp %logistic3A_196 : vector<1x8xf32>
      %logistic3A_198 = arith.constant 1.000000e+00 : f32
      %logistic3A_199 = vector.broadcast %logistic3A_198 : f32 to vector<1x8xf32>
      %logistic3A_200 = arith.addf %logistic3A_199, %logistic3A_197 : vector<1x8xf32>
      %logistic3A_201 = arith.divf %logistic3A_199, %logistic3A_200 : vector<1x8xf32>
      %slice3A_202 = vector.extract_strided_slice %slice3A_186 {offsets = [0, 8], sizes = [1, 8], strides = [1, 1]} : vector<1x24xf32> to vector<1x8xf32>
      %slice3A_203 = vector.extract_strided_slice %add3A_192 {offsets = [0, 8], sizes = [1, 8], strides = [1, 1]} : vector<1x24xf32> to vector<1x8xf32>
      %add3A_204 = arith.addf %slice3A_202, %slice3A_203 : vector<1x8xf32>
      %logistic3A_205 = arith.negf %add3A_204 : vector<1x8xf32>
      %logistic3A_206 = math.exp %logistic3A_205 : vector<1x8xf32>
      %logistic3A_207 = arith.constant 1.000000e+00 : f32
      %logistic3A_208 = vector.broadcast %logistic3A_207 : f32 to vector<1x8xf32>
      %logistic3A_209 = arith.addf %logistic3A_208, %logistic3A_206 : vector<1x8xf32>
      %logistic3A_210 = arith.divf %logistic3A_208, %logistic3A_209 : vector<1x8xf32>
      %slice3A_211 = vector.extract_strided_slice %slice3A_186 {offsets = [0, 16], sizes = [1, 8], strides = [1, 1]} : vector<1x24xf32> to vector<1x8xf32>
      %slice3A_212 = vector.extract_strided_slice %add3A_192 {offsets = [0, 16], sizes = [1, 8], strides = [1, 1]} : vector<1x24xf32> to vector<1x8xf32>
      %mul3A_213 = arith.mulf %logistic3A_201, %slice3A_212 : vector<1x8xf32>
      %add3A_214 = arith.addf %slice3A_211, %mul3A_213 : vector<1x8xf32>
      %tanh3A_215 = math.tanh %add3A_214 : vector<1x8xf32>
      %sub3A_216 = arith.constant 1.000000e+00 : f32
      %sub3A_217 = vector.broadcast %sub3A_216 : f32 to vector<1x8xf32>
      %sub3A_218 = arith.subf %sub3A_217, %logistic3A_210 : vector<1x8xf32>
      %mul3A_219 = arith.mulf %sub3A_218, %tanh3A_215 : vector<1x8xf32>
      %mul3A_220 = arith.mulf %logistic3A_210, %add3A_185 : vector<1x8xf32>
      %add3A_221 = arith.addf %mul3A_219, %mul3A_220 : vector<1x8xf32>
      %slice3A_222 = vector.extract_strided_slice %get3A_46 {offsets = [5, 0], sizes = [1, 24], strides = [1, 1]} : vector<8x24xf32> to vector<1x24xf32>
      %dot_general3A_223 = arith.constant dense<0.000000e+00> : vector<1x24xf32>
      %dot_general3A_224 = tpu.matmul %add3A_221, %transpose3A, %dot_general3A_223 {dimension_numbers = #tpu.dot_dimension_numbers<[1], [0], [0], [1], [0, 0, 1, 1], [], []>, transpose_lhs_hint = false} : vector<1x8xf32>, vector<8x24xf32>, vector<1x24xf32> -> vector<1x24xf32>
      %get3A_225 = arith.constant 0 : index
      %get3A_226 = arith.constant 0 : index
      %get3A_227 = vector.load %arg4[%get3A_225, %get3A_226] : memref<1x24xf32, #tpu.memory_space<vmem>>, vector<1x24xf32>
      %add3A_228 = arith.addf %dot_general3A_224, %get3A_227 : vector<1x24xf32>
      %slice3A_229 = vector.extract_strided_slice %slice3A_222 {offsets = [0, 0], sizes = [1, 8], strides = [1, 1]} : vector<1x24xf32> to vector<1x8xf32>
      %slice3A_230 = vector.extract_strided_slice %add3A_228 {offsets = [0, 0], sizes = [1, 8], strides = [1, 1]} : vector<1x24xf32> to vector<1x8xf32>
      %add3A_231 = arith.addf %slice3A_229, %slice3A_230 : vector<1x8xf32>
      %logistic3A_232 = arith.negf %add3A_231 : vector<1x8xf32>
      %logistic3A_233 = math.exp %logistic3A_232 : vector<1x8xf32>
      %logistic3A_234 = arith.constant 1.000000e+00 : f32
      %logistic3A_235 = vector.broadcast %logistic3A_234 : f32 to vector<1x8xf32>
      %logistic3A_236 = arith.addf %logistic3A_235, %logistic3A_233 : vector<1x8xf32>
      %logistic3A_237 = arith.divf %logistic3A_235, %logistic3A_236 : vector<1x8xf32>
      %slice3A_238 = vector.extract_strided_slice %slice3A_222 {offsets = [0, 8], sizes = [1, 8], strides = [1, 1]} : vector<1x24xf32> to vector<1x8xf32>
      %slice3A_239 = vector.extract_strided_slice %add3A_228 {offsets = [0, 8], sizes = [1, 8], strides = [1, 1]} : vector<1x24xf32> to vector<1x8xf32>
      %add3A_240 = arith.addf %slice3A_238, %slice3A_239 : vector<1x8xf32>
      %logistic3A_241 = arith.negf %add3A_240 : vector<1x8xf32>
      %logistic3A_242 = math.exp %logistic3A_241 : vector<1x8xf32>
      %logistic3A_243 = arith.constant 1.000000e+00 : f32
      %logistic3A_244 = vector.broadcast %logistic3A_243 : f32 to vector<1x8xf32>
      %logistic3A_245 = arith.addf %logistic3A_244, %logistic3A_242 : vector<1x8xf32>
      %logistic3A_246 = arith.divf %logistic3A_244, %logistic3A_245 : vector<1x8xf32>
      %slice3A_247 = vector.extract_strided_slice %slice3A_222 {offsets = [0, 16], sizes = [1, 8], strides = [1, 1]} : vector<1x24xf32> to vector<1x8xf32>
      %slice3A_248 = vector.extract_strided_slice %add3A_228 {offsets = [0, 16], sizes = [1, 8], strides = [1, 1]} : vector<1x24xf32> to vector<1x8xf32>
      %mul3A_249 = arith.mulf %logistic3A_237, %slice3A_248 : vector<1x8xf32>
      %add3A_250 = arith.addf %slice3A_247, %mul3A_249 : vector<1x8xf32>
      %tanh3A_251 = math.tanh %add3A_250 : vector<1x8xf32>
      %sub3A_252 = arith.constant 1.000000e+00 : f32
      %sub3A_253 = vector.broadcast %sub3A_252 : f32 to vector<1x8xf32>
      %sub3A_254 = arith.subf %sub3A_253, %logistic3A_246 : vector<1x8xf32>
      %mul3A_255 = arith.mulf %sub3A_254, %tanh3A_251 : vector<1x8xf32>
      %mul3A_256 = arith.mulf %logistic3A_246, %add3A_221 : vector<1x8xf32>
      %add3A_257 = arith.addf %mul3A_255, %mul3A_256 : vector<1x8xf32>
      %slice3A_258 = vector.extract_strided_slice %get3A_46 {offsets = [6, 0], sizes = [1, 24], strides = [1, 1]} : vector<8x24xf32> to vector<1x24xf32>
      %dot_general3A_259 = arith.constant dense<0.000000e+00> : vector<1x24xf32>
      %dot_general3A_260 = tpu.matmul %add3A_257, %transpose3A, %dot_general3A_259 {dimension_numbers = #tpu.dot_dimension_numbers<[1], [0], [0], [1], [0, 0, 1, 1], [], []>, transpose_lhs_hint = false} : vector<1x8xf32>, vector<8x24xf32>, vector<1x24xf32> -> vector<1x24xf32>
      %get3A_261 = arith.constant 0 : index
      %get3A_262 = arith.constant 0 : index
      %get3A_263 = vector.load %arg4[%get3A_261, %get3A_262] : memref<1x24xf32, #tpu.memory_space<vmem>>, vector<1x24xf32>
      %add3A_264 = arith.addf %dot_general3A_260, %get3A_263 : vector<1x24xf32>
      %slice3A_265 = vector.extract_strided_slice %slice3A_258 {offsets = [0, 0], sizes = [1, 8], strides = [1, 1]} : vector<1x24xf32> to vector<1x8xf32>
      %slice3A_266 = vector.extract_strided_slice %add3A_264 {offsets = [0, 0], sizes = [1, 8], strides = [1, 1]} : vector<1x24xf32> to vector<1x8xf32>
      %add3A_267 = arith.addf %slice3A_265, %slice3A_266 : vector<1x8xf32>
      %logistic3A_268 = arith.negf %add3A_267 : vector<1x8xf32>
      %logistic3A_269 = math.exp %logistic3A_268 : vector<1x8xf32>
      %logistic3A_270 = arith.constant 1.000000e+00 : f32
      %logistic3A_271 = vector.broadcast %logistic3A_270 : f32 to vector<1x8xf32>
      %logistic3A_272 = arith.addf %logistic3A_271, %logistic3A_269 : vector<1x8xf32>
      %logistic3A_273 = arith.divf %logistic3A_271, %logistic3A_272 : vector<1x8xf32>
      %slice3A_274 = vector.extract_strided_slice %slice3A_258 {offsets = [0, 8], sizes = [1, 8], strides = [1, 1]} : vector<1x24xf32> to vector<1x8xf32>
      %slice3A_275 = vector.extract_strided_slice %add3A_264 {offsets = [0, 8], sizes = [1, 8], strides = [1, 1]} : vector<1x24xf32> to vector<1x8xf32>
      %add3A_276 = arith.addf %slice3A_274, %slice3A_275 : vector<1x8xf32>
      %logistic3A_277 = arith.negf %add3A_276 : vector<1x8xf32>
      %logistic3A_278 = math.exp %logistic3A_277 : vector<1x8xf32>
      %logistic3A_279 = arith.constant 1.000000e+00 : f32
      %logistic3A_280 = vector.broadcast %logistic3A_279 : f32 to vector<1x8xf32>
      %logistic3A_281 = arith.addf %logistic3A_280, %logistic3A_278 : vector<1x8xf32>
      %logistic3A_282 = arith.divf %logistic3A_280, %logistic3A_281 : vector<1x8xf32>
      %slice3A_283 = vector.extract_strided_slice %slice3A_258 {offsets = [0, 16], sizes = [1, 8], strides = [1, 1]} : vector<1x24xf32> to vector<1x8xf32>
      %slice3A_284 = vector.extract_strided_slice %add3A_264 {offsets = [0, 16], sizes = [1, 8], strides = [1, 1]} : vector<1x24xf32> to vector<1x8xf32>
      %mul3A_285 = arith.mulf %logistic3A_273, %slice3A_284 : vector<1x8xf32>
      %add3A_286 = arith.addf %slice3A_283, %mul3A_285 : vector<1x8xf32>
      %tanh3A_287 = math.tanh %add3A_286 : vector<1x8xf32>
      %sub3A_288 = arith.constant 1.000000e+00 : f32
      %sub3A_289 = vector.broadcast %sub3A_288 : f32 to vector<1x8xf32>
      %sub3A_290 = arith.subf %sub3A_289, %logistic3A_282 : vector<1x8xf32>
      %mul3A_291 = arith.mulf %sub3A_290, %tanh3A_287 : vector<1x8xf32>
      %mul3A_292 = arith.mulf %logistic3A_282, %add3A_257 : vector<1x8xf32>
      %add3A_293 = arith.addf %mul3A_291, %mul3A_292 : vector<1x8xf32>
      %slice3A_294 = vector.extract_strided_slice %get3A_46 {offsets = [7, 0], sizes = [1, 24], strides = [1, 1]} : vector<8x24xf32> to vector<1x24xf32>
      %dot_general3A_295 = arith.constant dense<0.000000e+00> : vector<1x24xf32>
      %dot_general3A_296 = tpu.matmul %add3A_293, %transpose3A, %dot_general3A_295 {dimension_numbers = #tpu.dot_dimension_numbers<[1], [0], [0], [1], [0, 0, 1, 1], [], []>, transpose_lhs_hint = false} : vector<1x8xf32>, vector<8x24xf32>, vector<1x24xf32> -> vector<1x24xf32>
      %get3A_297 = arith.constant 0 : index
      %get3A_298 = arith.constant 0 : index
      %get3A_299 = vector.load %arg4[%get3A_297, %get3A_298] : memref<1x24xf32, #tpu.memory_space<vmem>>, vector<1x24xf32>
      %add3A_300 = arith.addf %dot_general3A_296, %get3A_299 : vector<1x24xf32>
      %slice3A_301 = vector.extract_strided_slice %slice3A_294 {offsets = [0, 0], sizes = [1, 8], strides = [1, 1]} : vector<1x24xf32> to vector<1x8xf32>
      %slice3A_302 = vector.extract_strided_slice %add3A_300 {offsets = [0, 0], sizes = [1, 8], strides = [1, 1]} : vector<1x24xf32> to vector<1x8xf32>
      %add3A_303 = arith.addf %slice3A_301, %slice3A_302 : vector<1x8xf32>
      %logistic3A_304 = arith.negf %add3A_303 : vector<1x8xf32>
      %logistic3A_305 = math.exp %logistic3A_304 : vector<1x8xf32>
      %logistic3A_306 = arith.constant 1.000000e+00 : f32
      %logistic3A_307 = vector.broadcast %logistic3A_306 : f32 to vector<1x8xf32>
      %logistic3A_308 = arith.addf %logistic3A_307, %logistic3A_305 : vector<1x8xf32>
      %logistic3A_309 = arith.divf %logistic3A_307, %logistic3A_308 : vector<1x8xf32>
      %slice3A_310 = vector.extract_strided_slice %slice3A_294 {offsets = [0, 8], sizes = [1, 8], strides = [1, 1]} : vector<1x24xf32> to vector<1x8xf32>
      %slice3A_311 = vector.extract_strided_slice %add3A_300 {offsets = [0, 8], sizes = [1, 8], strides = [1, 1]} : vector<1x24xf32> to vector<1x8xf32>
      %add3A_312 = arith.addf %slice3A_310, %slice3A_311 : vector<1x8xf32>
      %logistic3A_313 = arith.negf %add3A_312 : vector<1x8xf32>
      %logistic3A_314 = math.exp %logistic3A_313 : vector<1x8xf32>
      %logistic3A_315 = arith.constant 1.000000e+00 : f32
      %logistic3A_316 = vector.broadcast %logistic3A_315 : f32 to vector<1x8xf32>
      %logistic3A_317 = arith.addf %logistic3A_316, %logistic3A_314 : vector<1x8xf32>
      %logistic3A_318 = arith.divf %logistic3A_316, %logistic3A_317 : vector<1x8xf32>
      %slice3A_319 = vector.extract_strided_slice %slice3A_294 {offsets = [0, 16], sizes = [1, 8], strides = [1, 1]} : vector<1x24xf32> to vector<1x8xf32>
      %slice3A_320 = vector.extract_strided_slice %add3A_300 {offsets = [0, 16], sizes = [1, 8], strides = [1, 1]} : vector<1x24xf32> to vector<1x8xf32>
      %mul3A_321 = arith.mulf %logistic3A_309, %slice3A_320 : vector<1x8xf32>
      %add3A_322 = arith.addf %slice3A_319, %mul3A_321 : vector<1x8xf32>
      %tanh3A_323 = math.tanh %add3A_322 : vector<1x8xf32>
      %sub3A_324 = arith.constant 1.000000e+00 : f32
      %sub3A_325 = vector.broadcast %sub3A_324 : f32 to vector<1x8xf32>
      %sub3A_326 = arith.subf %sub3A_325, %logistic3A_318 : vector<1x8xf32>
      %mul3A_327 = arith.mulf %sub3A_326, %tanh3A_323 : vector<1x8xf32>
      %mul3A_328 = arith.mulf %logistic3A_318, %add3A_293 : vector<1x8xf32>
      %add3A_329 = arith.addf %mul3A_327, %mul3A_328 : vector<1x8xf32>
      %concatenate3A = tpu.concatenate %add3A_77, %add3A_113, %add3A_149, %add3A_185, %add3A_221, %add3A_257, %add3A_293, %add3A_329 in 0 : vector<1x8xf32>, vector<1x8xf32>, vector<1x8xf32>, vector<1x8xf32>, vector<1x8xf32>, vector<1x8xf32>, vector<1x8xf32>, vector<1x8xf32> -> vector<8x8xf32>
      %mul3A_330 = arith.constant 8 : i32
      %mul3A_331 = arith.muli %scan3A_40, %mul3A_330 : i32
      %swap3A_332 = arith.index_cast %mul3A_331 : i32 to index
      %swap3A_333 = arith.constant 0 : index
      %swap3A_334 = vector.load %arg9[%swap3A_332, %swap3A_333] : memref<10000x8xf32, #tpu.memory_space<vmem>>, vector<8x8xf32>
      tpu.vector_store %arg9[%swap3A_332, %swap3A_333], %concatenate3A {strides = array<i32>} : memref<10000x8xf32, #tpu.memory_space<vmem>>, vector<8x8xf32>,
      scf.yield %add3A_329 : vector<1x8xf32>
    }
    %scan3A_21 = arith.constant 1250 : i32
    %get3A_22 = arith.constant 0 : index
    %get3A_23 = arith.constant 0 : index
    %get3A_24 = vector.load %arg9[%get3A_22, %get3A_23] : memref<10000x8xf32, #tpu.memory_space<vmem>>, vector<10000x8xf32>
    %get3A_25 = arith.constant 0 : index
    %get3A_26 = arith.constant 0 : index
    %get3A_27 = vector.load %arg5[%get3A_25, %get3A_26] : memref<1x8xf32, #tpu.memory_space<vmem>>, vector<1x8xf32>
    %mul3A_28 = vector.broadcast %get3A_27 : vector<1x8xf32> to vector<10000x8xf32>
    %mul3A_29 = arith.mulf %get3A_24, %mul3A_28 : vector<10000x8xf32>
    %reduce_sum3A = arith.constant dense<0.000000e+00> : vector<10000xf32>
    %reduce_sum3A_30 = vector.multi_reduction <add>, %mul3A_29, %reduce_sum3A [1] : vector<10000x8xf32> to vector<10000xf32>
    %broadcast_in_dim3A_31 = vector.shape_cast %reduce_sum3A_30 : vector<10000xf32> to vector<10000x1xf32>
    %get3A_32 = arith.constant 0 : index
    %get3A_33 = arith.constant 0 : index
    %get3A_34 = vector.load %arg6[%get3A_32, %get3A_33] : memref<1x1xf32, #tpu.memory_space<vmem>>, vector<1x1xf32>
    %add3A_35 = vector.broadcast %get3A_34 : vector<1x1xf32> to vector<10000x1xf32>
    %add3A_36 = arith.addf %broadcast_in_dim3A_31, %add3A_35 : vector<10000x1xf32>
    %swap3A_37 = arith.constant 0 : index
    %swap3A_38 = arith.constant 0 : index
    %swap3A_39 = vector.load %arg7[%swap3A_37, %swap3A_38] : memref<10000x1xf32, #tpu.memory_space<vmem>>, vector<10000x1xf32>
    tpu.vector_store %arg7[%swap3A_37, %swap3A_38], %add3A_36 {strides = array<i32>} : memref<10000x1xf32, #tpu.memory_space<vmem>>, vector<10000x1xf32>,
    return
  }
}

module attributes {stable_mosaic.version = 14 : i64} {
  func.func @_dense_company_kernel(%arg0: memref<10000x32xf32, #tpu.memory_space<vmem>>, %arg1: memref<10000x16xf32, #tpu.memory_space<vmem>>, %arg2: memref<128x32xf32, #tpu.memory_space<vmem>>, %arg3: memref<128x144xf32, #tpu.memory_space<vmem>>, %arg4: memref<128x128xf32, #tpu.memory_space<vmem>>, %arg5: memref<128x128xf32, #tpu.memory_space<vmem>>, %arg6: memref<10000x128xf32, #tpu.memory_space<vmem>>) attributes {dimension_semantics = [], scalar_prefetch = 0 : i64, scratch_operands = 0 : i64, tpu.core_type = #tpu.core_type<tc>} {
    %get3A = arith.constant 0 : index
    %get3A_0 = arith.constant 0 : index
    %get3A_1 = vector.load %arg0[%get3A, %get3A_0] : memref<10000x32xf32, #tpu.memory_space<vmem>>, vector<10000x32xf32>
    %get3A_2 = arith.constant 0 : index
    %get3A_3 = arith.constant 0 : index
    %get3A_4 = vector.load %arg2[%get3A_2, %get3A_3] : memref<128x32xf32, #tpu.memory_space<vmem>>, vector<128x32xf32>
    %transpose3A = tpu.transpose %get3A_4, [1, 0] : vector<128x32xf32> -> vector<32x128xf32>
    %dot_general3A = arith.constant dense<0.000000e+00> : vector<10000x128xf32>
    %dot_general3A_5 = tpu.matmul %get3A_1, %transpose3A, %dot_general3A {dimension_numbers = #tpu.dot_dimension_numbers<[1], [0], [0], [1], [0, 0, 1, 1], [], []>, transpose_lhs_hint = false} : vector<10000x32xf32>, vector<32x128xf32>, vector<10000x128xf32> -> vector<10000x128xf32>
    %get3A_6 = arith.constant 0 : index
    %get3A_7 = arith.constant 0 : index
    %get3A_8 = vector.load %arg1[%get3A_6, %get3A_7] : memref<10000x16xf32, #tpu.memory_space<vmem>>, vector<10000x16xf32>
    %concatenate3A = tpu.concatenate %dot_general3A_5, %get3A_8 in 1 : vector<10000x128xf32>, vector<10000x16xf32> -> vector<10000x144xf32>
    %get3A_9 = arith.constant 0 : index
    %get3A_10 = arith.constant 0 : index
    %get3A_11 = vector.load %arg3[%get3A_9, %get3A_10] : memref<128x144xf32, #tpu.memory_space<vmem>>, vector<128x144xf32>
    %transpose3A_12 = tpu.transpose %get3A_11, [1, 0] : vector<128x144xf32> -> vector<144x128xf32>
    %dot_general3A_13 = arith.constant dense<0.000000e+00> : vector<10000x128xf32>
    %dot_general3A_14 = tpu.matmul %concatenate3A, %transpose3A_12, %dot_general3A_13 {dimension_numbers = #tpu.dot_dimension_numbers<[1], [0], [0], [1], [0, 0, 1, 1], [], []>, transpose_lhs_hint = false} : vector<10000x144xf32>, vector<144x128xf32>, vector<10000x128xf32> -> vector<10000x128xf32>
    %get3A_15 = arith.constant 0 : index
    %get3A_16 = arith.constant 0 : index
    %get3A_17 = vector.load %arg4[%get3A_15, %get3A_16] : memref<128x128xf32, #tpu.memory_space<vmem>>, vector<128x128xf32>
    %transpose3A_18 = tpu.transpose %get3A_17, [1, 0] : vector<128x128xf32> -> vector<128x128xf32>
    %dot_general3A_19 = arith.constant dense<0.000000e+00> : vector<10000x128xf32>
    %dot_general3A_20 = tpu.matmul %dot_general3A_14, %transpose3A_18, %dot_general3A_19 {dimension_numbers = #tpu.dot_dimension_numbers<[1], [0], [0], [1], [0, 0, 1, 1], [], []>, transpose_lhs_hint = false} : vector<10000x128xf32>, vector<128x128xf32>, vector<10000x128xf32> -> vector<10000x128xf32>
    %max3A = arith.constant 0.000000e+00 : f32
    %max3A_21 = vector.broadcast %max3A : f32 to vector<10000x128xf32>
    %max3A_22 = arith.maximumf %dot_general3A_20, %max3A_21 : vector<10000x128xf32>
    %get3A_23 = arith.constant 0 : index
    %get3A_24 = arith.constant 0 : index
    %get3A_25 = vector.load %arg5[%get3A_23, %get3A_24] : memref<128x128xf32, #tpu.memory_space<vmem>>, vector<128x128xf32>
    %transpose3A_26 = tpu.transpose %get3A_25, [1, 0] : vector<128x128xf32> -> vector<128x128xf32>
    %dot_general3A_27 = arith.constant dense<0.000000e+00> : vector<10000x128xf32>
    %dot_general3A_28 = tpu.matmul %max3A_22, %transpose3A_26, %dot_general3A_27 {dimension_numbers = #tpu.dot_dimension_numbers<[1], [0], [0], [1], [0, 0, 1, 1], [], []>, transpose_lhs_hint = false} : vector<10000x128xf32>, vector<128x128xf32>, vector<10000x128xf32> -> vector<10000x128xf32>
    %swap3A = arith.constant 0 : index
    %swap3A_29 = arith.constant 0 : index
    %swap3A_30 = vector.load %arg6[%swap3A, %swap3A_29] : memref<10000x128xf32, #tpu.memory_space<vmem>>, vector<10000x128xf32>
    tpu.vector_store %arg6[%swap3A, %swap3A_29], %dot_general3A_28 {strides = array<i32>} : memref<10000x128xf32, #tpu.memory_space<vmem>>, vector<10000x128xf32>,
    return
  }
}

</mosaic_0001>

<sc_bundles>
// kernel: gather_offload_async_start
scs
__scs_entry_jumppad:
0x0: {  	(pc) =	sbr.rel $0x88, $3  }
0x1: {  	(tag) =	ssettag $0x0;
	lr =	simm.s32 $0x1  }
0x2: {  	[smem:$0x3F93] =	sst lr;
	_ =	strace $0xD0000000  }
0x3: {  	_ = 	snop  }
0x4: {  	_ = 	snop  }
0x5: {  	_ = 	snop  }
0x6: {  	_ = 	snop  }
0x7: {  	_ = 	snop  }
__scs_overlays_trampoline_lowered:
0x8: {  	[smem:$0x3FA2] =	sst s0  }
0x9: {  	[smem:$0x3FA3] =	sst s1  }
0xa: {  	[smem:$0x3FA4] =	sst s2  }
0xb: {  	[smem:$0x3FA5] =	sst s3  }
0xc: {  	[smem:$0x3FA6] =	sst s4  }
0xd: {  	[smem:$0x3FA7] =	sst s5  }
0xe: {  	[smem:$0x3FA8] =	sst s6  }
0xf: {  	[smem:$0x3FA9] =	sst s7  }
0x10: {  	[smem:$0x3FAA] =	sst s8  }
0x11: {  	[smem:$0x3FAB] =	sst s9;
	s0 =	simm.s32 @!p0 $0x0  }
0x12: {  	s1 =	sld [smem:$0x3F91];
	s0 =	simm.s32 @p0 $0x1  }
0x13: {  	[smem:$0x3FAC] =	sst s0;
	s0 =	simm.s32 @!p1 $0x0  }
0x14: {  	s2 =	sld [smem:$0x3F90];
	s0 =	simm.s32 @p1 $0x1  }
0x15: {  	[smem:$0x3FAD] =	sst s0;
	s0 =	simm.s32 @!p2 $0x0  }
0x16: {  	s3 =	sld [smem:$0x3FDB];
	s0 =	simm.s32 @p2 $0x1  }
0x17: {  	s4 =	simm.s32 $0x1BF5;
	[smem:$0x3FAF] =	sst s0  }
0x18: {  	s0 =	sld [smem:$0x3F92];
	_ =	swait.ge [sflag:s4], $0x0  }
0x19: {  	s7 =	sld [smem:$0x3F93]  }
0x1a: {  	s8 =	sadd.s32 $0xFFFFE003, lr  }
0x1b: {  	s9 =	sadd.s32 $0xFFFFFEF7, lr;
	s5 =	simm.s32 $0xFFFFFFFF;
	p2 =	slt.u32 s8, $0xFFFFF086  }
0x1c: {  	p1 =	slt.u32 s9, $0xF7A;
	s5 =	simm.s32 @!p2 $0x0  }
0x1d: {  	s5 =	simm.s32 @p1 $0x1;
	p0 =	seq.s32 s7, s2  }
0x1e: {  	s7 =	smul.u32 @!p0 $0xF7A, s2;
	p2 =	seq.s32 @!p0 s5, $0x0  }
0x1f: {  	s9 =	smul.u32 $0xF7A, s1;
	s8 =	simm.s32 @!p0 $0x1BF5;
	p2 =	por !p2, p0  }
0x20: {  	[sflag:s8] =	ssyncset.s32 @!p0 $0xFFFFF086;
	s6 =	sadd.s32 @!p0 s3, s7;
	s7 =	simm.s32 @!p0 $0x108  }
0x21: {  	s3 =	sadd.s32 s3, s9;
	s6 =	sadd.s32 @!p0 $0x88, s6;
	s7 =	simm.s32 @p2 $0x1082  }
0x22: {  	[simem:s7], [sflag:s8] =	dma.local @!p0 [hbm:s6], $0xF7A  }
0x23: {  	s9 =	sor.u32 $0xD0000000, s2;
	s6 =	simm.s32 $0x108;
	_ =	swait.ge @!p0 [sflag:s8], $0x0  }
0x24: {  	s3 =	sadd.s32 $0x88, s3;
	s6 =	simm.s32 @!p1 $0x1082;
	[sflag:s4] =	ssyncset.s32 $0xFFFFF086  }
0x25: {  	[simem:s6], [sflag:s4] =	dma.local [hbm:s3], $0xF7A  }
0x26: {  	[smem:$0x3F93] =	sst s1;
	(tag) =	ssettag s2;
	_ =	strace s9  }
0x27: {  	s1 =	sld [smem:$0x3FA3]  }
0x28: {  	s2 =	sld [smem:$0x3FA4]  }
0x29: {  	s4 =	sld [smem:$0x3FA6]  }
0x2a: {  	p0 =	seq.s32 s5, $0x0;
	s5 =	sld [smem:$0x3FA7]  }
0x2b: {  	s6 =	sld [smem:$0x3FA8]  }
0x2c: {  	s7 =	sld [smem:$0x3FA9]  }
0x2d: {  	s3 =	simm.s32 $0x108;
	s8 =	sld [smem:$0x3FAA]  }
0x2e: {  	s3 =	simm.s32 @!p0 $0x1082;
	s9 =	sld [smem:$0x3FAB]  }
0x2f: {  	lr =	sadd.s32 s0, s3;
	s0 =	sld [smem:$0x3FA2]  }
0x30: {  	s3 =	sld [smem:$0x3FA5]  }
0x31: {  	[smem:$0x3FAE] =	sst s10  }
0x32: {  	s10 =	sld [smem:$0x3FAC];
	_ =	sdelay $0x3  }
0x33: {  	p0 =	seq.s32 s10, $0x1;
	s10 =	sld [smem:$0x3FAE];
	_ =	sdelay $0x3  }
0x34: {  	[smem:$0x3FAE] =	sst s10  }
0x35: {  	s10 =	sld [smem:$0x3FAD];
	_ =	sdelay $0x3  }
0x36: {  	p1 =	seq.s32 s10, $0x1;
	s10 =	sld [smem:$0x3FAE];
	_ =	sdelay $0x3  }
0x37: {  	[smem:$0x3FAE] =	sst s10  }
0x38: {  	s10 =	sld [smem:$0x3FAF]  }
0x39: {  	_ = 	snop;
	(pc) =	sbr.ind lr, $3  }
0x3a: {  	_ = 	snop  }
0x3b: {  	_ = 	snop  }
0x3c: {  	p2 =	seq.s32 s10, $0x1;
	s10 =	sld [smem:$0x3FAE]  }
0x3d: {  	_ =	shalt  }
0x3e: {  	_ =	shalt  }
0x3f: {  	_ =	shalt  }
0x40: {  	_ =	shalt  }
0x41: {  	_ =	shalt  }
0x42: {  	_ =	shalt  }
0x43: {  	_ =	shalt  }
0x44: {  	_ =	shalt  }
0x45: {  	_ =	shalt  }
0x46: {  	_ =	shalt  }
0x47: {  	_ =	shalt  }
0x48: {  	_ =	shalt  }
0x49: {  	_ =	shalt  }
0x4a: {  	_ =	shalt  }
0x4b: {  	_ =	shalt  }
0x4c: {  	_ =	shalt  }
0x4d: {  	_ =	shalt  }
0x4e: {  	_ =	shalt  }
0x4f: {  	_ =	shalt  }
0x50: {  	_ =	shalt  }
0x51: {  	_ =	shalt  }
0x52: {  	_ =	shalt  }
0x53: {  	_ =	shalt  }
0x54: {  	_ =	shalt  }
0x55: {  	_ =	shalt  }
0x56: {  	_ =	shalt  }
0x57: {  	_ =	shalt  }
0x58: {  	_ =	shalt  }
0x59: {  	_ =	shalt  }
0x5a: {  	_ =	shalt  }
0x5b: {  	_ =	shalt  }
0x5c: {  	_ =	shalt  }
0x5d: {  	_ =	shalt  }
0x5e: {  	_ =	shalt  }
0x5f: {  	_ =	shalt  }
0x60: {  	_ =	shalt  }
0x61: {  	_ =	shalt  }
0x62: {  	_ =	shalt  }
0x63: {  	_ =	shalt  }
0x64: {  	_ =	shalt  }
0x65: {  	_ =	shalt  }
0x66: {  	_ =	shalt  }
0x67: {  	_ =	shalt  }
0x68: {  	_ =	shalt  }
0x69: {  	_ =	shalt  }
0x6a: {  	_ =	shalt  }
0x6b: {  	_ =	shalt  }
0x6c: {  	_ =	shalt  }
0x6d: {  	_ =	shalt  }
0x6e: {  	_ =	shalt  }
0x6f: {  	_ =	shalt  }
0x70: {  	_ =	shalt  }
0x71: {  	_ =	shalt  }
0x72: {  	_ =	shalt  }
0x73: {  	_ =	shalt  }
0x74: {  	_ =	shalt  }
0x75: {  	_ =	shalt  }
0x76: {  	_ =	shalt  }
0x77: {  	_ =	shalt  }
0x78: {  	_ =	shalt  }
0x79: {  	_ =	shalt  }
0x7a: {  	_ =	shalt  }
0x7b: {  	_ =	shalt  }
0x7c: {  	_ =	shalt  }
0x7d: {  	_ =	shalt  }
0x7e: {  	_ =	shalt  }
0x7f: {  	_ =	shalt  }
0x80: {  	_ =	shalt  }
0x81: {  	_ =	shalt  }
0x82: {  	_ =	shalt  }
0x83: {  	_ =	shalt  }
0x84: {  	_ =	shalt  }
0x85: {  	_ =	shalt  }
0x86: {  	_ =	shalt  }
0x87: {  	_ =	shalt  }
.Lfunc_end0:
.L_simem_size_0:
called_computation_lowered:
.L_overlay_start_0:
0x88: {  	s2 =	sld [smem:$0x3FD9]  }
0x89: {  	s3 =	sld [smem:$0x3FFE];
	_ =	sdelay $0x1  }
0x8a: {  	s1 =	srdreg.scid  }
0x8b: {  	s0 =	sand.u32 $0x1, s1  }
0x8c: {  	s17 =	sshll.u32 s0, $0xA;
	s2 =	sadd.s32 s3, s2  }
0x8d: {  	s2 =	sadd.s32 s2, s17  }
0x8e: {  	[smem:$0x3FBA] =	sst s2  }
0x8f: {  	_ = 	snop  }
0x90: {  	s2 =	sld [smem:$0x3FD0];
	(tm) =	ssettm $0x1  }
0x91: {  	s18 =	sld [smem:$0x3FFB];
	_ =	sdelay $0x3  }
0x92: {  	_ =	strace s18  }
0x93: {  	s3 =	sld [smem:$0x3FFC];
	_ =	sdelay $0x3  }
0x94: {  	_ =	strace s3  }
0x95: {  	s3 =	sld [smem:$0x3FFD];
	_ =	sdelay $0x3  }
0x96: {  	_ =	strace s3  }
0x97: {  	_ =	strace $0x8FFFFFFF  }
0x98: {  	s19 =	sld [smem:$0x3FDB];
	_ =	sdelay $0x1  }
0x99: {  	s4 =	simm.s32 $_scs_section_size  }
0x9a: {  	s5 =	simm.s32 $_size__tile_overlayer_lowered;
	s6 =	simm.s32 $_tile_overlayer_lowered  }
0x9b: {  	s22 =	simm.s32 $0x1BFF;
	s21 =	sshll.u32 s6, $0x1;
	s3 =	sadd.s32 s4, s19  }
0x9c: {  	s7 =	simm.s32 $0x0;
	s20 =	sshll.u32 s5, $0x1;
	s5 =	sadd.s32 s21, s3  }
0x9d: {  	[timem:s7], [sflag:s22] =	dma.local [hbm:s5], s20  }
0x9e: {  	_ =	swait.ge [sflag:s22], s20  }
0x9f: {  	s4 =	ssub.s32 $0x0, s20;
	[sflag:s22] =	ssyncset.done $0x0  }
0xa0: {  	[sflag:s22] =	ssyncadd.s32 s4;
	_ =	sdelay $0x1  }
0xa1: {  	s23 =	simm.s32 $0x1B8B  }
0xa2: {  	_ =	swait.ge [sflag:s23], $0x1  }
0xa3: {  	[sflag:s23] =	ssyncset.done $0x0  }
0xa4: {  	s25 =	simm.s32 $0x1B8E;
	s24 =	sld [smem:$0x3FFE];
	[sflag:s23] =	ssyncadd.s32 $0xFFFFFFFF  }
0xa5: {  	s26 =	simm.s32 $execute0_lowered;
	[smem:$0x3FD2] =	sst s25  }
0xa6: {  	s5 =	sshll.u32 s26, $0x1;
	_ =	strace $0x80000046;
	[dreg:$0x1] =	wrdreg $0xFFFFFFFF  }
0xa7: {  	s28 =	simm.s32 $_size_execute0_lowered;
	s3 =	sadd.s32 s3, s5;
	[dreg:$0x0] =	wrdreg $0x0  }
0xa8: {  	s5 =	sshll.u32 s28, $0x1;
	[dreg:$0x2] =	wrdreg s3  }
0xa9: {  	[dreg:$0x3] =	wrdreg s5  }
0xaa: {  	[dreg:$0x4] =	wrdreg $0xC0  }
0xab: {  	_ =	task [dreg:s7], $0x5FFFF  }
0xac: {  	[dreg:$0x1] =	wrdreg $0xFFFFFFFF  }
0xad: {  	[dreg:$0x0] =	wrdreg $0x60  }
0xae: {  	[dreg:$0x2] =	wrdreg s24  }
0xaf: {  	[dreg:$0x3] =	wrdreg s2  }
0xb0: {  	[dreg:$0x4] =	wrdreg $0x9  }
0xb1: {  	_ =	task.clear_ibuf [dreg:s7], $0x5FFFF;
	_ =	strace $0x90000046  }
0xb2: {  	s29 =	simm.s32 $0x9;
	_ =	strace $0x80000048  }
0xb3: {  	_ =	swait.ge [sflag:s29], $0x1  }
0xb4: {  	[sflag:s29] =	ssyncadd.s32 $0xFFFFFFFF  }
0xb5: {  	_ =	strace $0x90000048  }
0xb6: {  	_ =	sfence  }
0xb7: {  	s30 =	sld [smem:$0x0];
	_ =	sdelay $0x2  }
0xb8: {  	s31 =	sshll.u32 s1, $0xD;
	s1 =	sshrl.u32 s1, $0x2  }
0xb9: {  	s3 =	sand.u32 $0x4000, s31;
	s1 =	sadd.s32 s1, s30  }
0xba: {  	s0 =	sor.u32 s3, s0;
	s1 =	sshll.u32 s1, $0x11  }
0xbb: {  	s0 =	sor.u32 s1, s0  }
0xbc: {  	s0 =	sadd.s32 $0x8F2B, s0  }
0xbd: {  	[sflag:s0] =	ssyncadd.remote.s32 $0x1  }
0xbe: {  	_ =	sfence.sel $0xFFFF  }
0xbf: {  	[dreg:$0x0] =	wrdreg $0xFFFFFFFF;
	(pc) =	sbr.abs _section_cstart, $3  }
0xc0: {  	[dreg:$0x1] =	wrdreg $0xFFFFFFFF  }
0xc1: {  	_ =	task.clear_ibuf [dreg:s7], $0x2FFFF;
	_ =	strace $0x9FFFFFFF  }
0xc2: {  	(tm) =	ssettm $0x7FFFFFFF  }
0xc3: {  	_ =	shalt  }
tec
execute0_lowered:
.L_overlay_start_1:
0x0: {  	(tag) =	ssettag $0x1  }
0x1: {  	s7 =	rddreg [dreg:$0x0]  }
0x2: {  	s2 =	rddreg [dreg:$0x1]  }
0x3: {  	s0 =	rddreg [dreg:$0x2]  }
0x4: {  	s1 =	srdreg.scid;
	_ =	strace $0x80000047;
	s4 =	simm.s32 $0x1  }
0x5: {  	s9 =	simm.s32 $0x3;
	s12 =	simm.s32 $0x0;
	s5 =	sshll.u32 s1, $0x4  }
.Ltmp0:
0x6: {  	s1 =	stileid.u32;
	s5 =	sand.u32 $0x10, s5;
	(pc) =	sbr.rel .LBB2_1-.Ltmp0, $4  }
0x7: {  	s10 =	simm.s32 $0x0;
	s3 =	sadd.s32 $0x1000, s7;
	s6 =	sor.u32 s1, s5  }
0x8: {  	[sflag:s4] =	ssyncpa.u1 $0x0;
	s5 =	simm.s32 $0x2;
	s6 =	sshll.u32 s6, $0x7  }
0x9: {  	s7 =	sadd.s32 $0x4F200, s7;
	[sflag:s5] =	ssyncpa.u1 $0x0;
	s8 =	sadd.s32 $0x80, s6  }
0xa: {  	vm0 =	vmmov $0xff;
	vm1 =	vcmask $0x3F20;
	[sflag:s9] =	ssyncpa.u1 $0x0;
	s9 =	simm.s32 $0x80;
	s11 =	smov.u32 s6  }
.LBB2_10:
0xb: {  	[hbm:s16] =	stream.linear.scatter [tilespmem:s13], [sflag:$0x3], $0x800, $0x38;
	[tilespmem:$0x10100] =	vst v63  }
.LBB2_11:
0xc: {  	p0 =	seq.s32 s10, $0x2  }
.Ltmp1:
0xd: {  	_ = 	snop;
	(pc) =	sbr.rel @p0 .LBB2_13-.Ltmp1, $1  }
0xe: {  	_ =	sdelay $0x3  }
.LBB2_12:
0xf: {  	s12 =	sadd.s32 $0x80, s11  }
0x10: {  	s13 =	smov.u32 s6;
	p0 =	slt.s32 s12, s8  }
0x11: {  	s13 =	smov.u32 @p0 s12  }
0x12: {  	s10 =	sadd.s32 $0x1, s10;
	s12 =	smov.u32 s11;
	s11 =	smov.u32 s13  }
.LBB2_1:
0x13: {  	p0 =	sne.s32 s10, $0x0  }
.Ltmp2:
0x14: {  	_ = 	snop;
	(pc) =	sbr.rel @!p0 .LBB2_2-.Ltmp2, $1  }
0x15: {  	_ =	sdelay $0x3  }
0x16: {  	s13 =	sand.u32 $0x1, s10  }
0x17: {  	p0 =	seq.s32 s13, $0x0  }
.Ltmp3:
0x18: {  	_ = 	snop;
	(pc) =	sbr.rel @p0 .LBB2_11-.Ltmp3, $1  }
0x19: {  	_ =	sdelay $0x3  }
0x1a: {  	_ =	swait.ge [sflag:s5], $0x80  }
0x1b: {  	[sflag:s5] =	ssyncset.done $0x0  }
0x1c: {  	s13 =	simm.s32 $0x0;
	[sflag:s5] =	ssyncadd.s32 $0xFFFFFF80  }
.LBB2_5:
0x1d: {  	s14 =	sshll.u32 s13, $0x4  }
0x1e: {  	s14 =	sand.u32 $0x3FFFFFF0, s14  }
0x1f: {  	v0 =	vld.msk [tilespmem:s14+$0x80 ss:$0x1], $0xffff;
	_ =	sdelay $0x4  }
0x20: {  	vm2 =	vgt.s32 v0, $0x0  }
0x21: {  	v0 =	vnsel vm2, $0x0, v0  }
0x22: {  	v0 =	vmin.u32 v0, $0x270F  }
0x23: {  	s31 =	sshll.u32 s13, $0xC;
	v1 =	vshll.u32 v0, $0x5;
	v0 =	vshll.u32 v0, $0x4  }
0x24: {  	s14 =	sand.u32 $0x3FFFF000, s31;
	v1 =	vand.u32 $0x7FF00, v1;
	v0 =	vand.u32 $0x70, v0  }
0x25: {  	p0 =	por $0x1, $0x1;
	s15 =	simm.s32 $0x0;
	s14 =	sadd.s32 $0x8100, s14;
	v0 =	vor.u32 v0, v1  }
.LBB2_6:
0x26: {  	_ =	sdelay $0x1  }
0x27: {  	s15 =	sshra.s32 s15, $0x2;
	p1 =	por p0, p0  }
.Ltmp4:
0x28: {  	s15 =	sadd.s32 s15, s14;
	(pc) =	sbr.rel @p1 .LBB2_6-.Ltmp4, $4  }
0x29: {  	[tilespmem:s15], [sflag:$0x1] =	stream.indirect_vreg.gather [hbm:s3], $0x80, v0, vm0, $0x38;
	[tilespmem:$0x10100] =	vst v63  }
0x2a: {  	s15 =	sadd.s32 $0x800, s15  }
0x2b: {  	[tilespmem:s15], [sflag:$0x1] =	stream.indirect_vreg.gather [hbm:s3], $0x80, v0, vm1, $0x38;
	[tilespmem:$0x10100] =	vst v63  }
0x2c: {  	p0 =	por $0x0, $0x0;
	v0 =	vadd.s32 $0x80, v0;
	s15 =	simm.s32 $0x1000  }
0x2d: {  	s13 =	sadd.s32 $0x1, s13  }
0x2e: {  	p0 =	sne.s32 s13, $0x8  }
.Ltmp5:
0x2f: {  	_ = 	snop;
	(pc) =	sbr.rel @p0 .LBB2_5-.Ltmp5, $1  }
0x30: {  	_ =	sdelay $0x3  }
0x31: {  	s13 =	sshll.u32 s12, $0x5  }
0x32: {  	_ =	swait.ge [sflag:s4], $0x8000;
	s31 =	sshll.u32 s12, $0x4;
	s13 =	sand.u32 $0xFFFFFF00, s13  }
0x33: {  	s14 =	simm.s32 $0x100;
	s12 =	sand.u32 $0x70, s31;
	s13 =	sadd.s32 s13, s7  }
0x34: {  	s15 =	simm.s32 $0x8900;
	[sflag:s4] =	ssyncset.done $0x0;
	s12 =	sadd.s32 s12, s13  }
0x35: {  	[sflag:s4] =	ssyncadd.s32 $0xFFFF8000;
	s13 =	simm.s32 $0x8100;
	s16 =	sadd.s32 $0x0, s12  }
.LBB2_9:
0x36: {  	[hbm:s16] =	stream.linear.scatter [tilespmem:s13], [sflag:$0x3], $0x800, $0x38;
	[tilespmem:$0x10100] =	vst v63  }
0x37: {  	s16 =	smov.u32 s14;
	s13 =	smov.u32 s15;
	p0 =	sne.s32 s14, $0xF00  }
.Ltmp6:
0x38: {  	s14 =	sadd.s32 $0x100, s14;
	(pc) =	sbr.rel @p0 .LBB2_9-.Ltmp6, $2  }
0x39: {  	_ =	sdelay $0x2  }
0x3a: {  	s15 =	sadd.s32 $0x800, s15;
	s16 =	sadd.s32 s16, s12  }
.Ltmp7:
0x3b: {  	_ = 	snop;
	(pc) =	sbr.rel .LBB2_10-.Ltmp7, $1  }
0x3c: {  	_ =	sdelay $0x3  }
.LBB2_2:
.Ltmp8:
0x3d: {  	(pc) =	sbr.rel .LBB2_12-.Ltmp8, $4  }
0x3e: {  	_ = 	snop  }
0x3f: {  	s12 =	sshrl.u32 s11, $0x3  }
0x40: {  	s13 =	sand.u32 $0x7, s11;
	s12 =	sadd.s32 s2, s12  }
0x41: {  	[tilespmem:s9], [sflag:$0x2] =	stream.linear.gather [hbm4b:s12+s13], $0x80, $0x38;
	[tilespmem:$0x10100] =	vst v63  }
.LBB2_13:
0x42: {  	s2 =	simm.s32 $0x3  }
0x43: {  	_ =	swait.ge [sflag:s2], $0x8000  }
0x44: {  	[sflag:s2] =	ssyncset.done $0x0  }
0x45: {  	[sflag:s2] =	ssyncadd.s32 $0xFFFF8000  }
0x46: {  	_ =	sfence.sel $0x180000  }
0x47: {  	s3 =	simm.s32 $0x2;
	[bflag:$0x0] =	sbarrier.arrive $0xFFFF  }
0x48: {  	[sflag:s3] =	ssyncpa.u1 $0x1  }
0x49: {  	s31 =	simm.s32 $0x1;
	[sflag:s2] =	ssyncpa.u1 $0x1  }
0x4a: {  	[sflag:s31] =	ssyncpa.u1 $0x1  }
0x4b: {  	p0 =	sne.s32 s1, $0x0;
	_ =	strace $0x90000047  }
0x4c: {  	s0 =	sadd.s32 @!p0 $0x100000, s0;
	[bflag:$0x2] =	sbarrier.arrive $0xFFFF  }
0x4d: {  	[sflag:s0] =	ssyncadd.tile.s32 @!p0 $0x1;
	_ =	shalt  }
.Lfunc_end2:
_tile_overlayer_lowered:
.L_overlay_start_2:
0x4e: {  	(tag) =	ssettag $0x2  }
0x4f: {  	s0 =	rddreg [dreg:$0x0];
	s2 =	stileid.u32  }
0x50: {  	s1 =	rddreg [dreg:$0x1];
	p0 =	sne.s32 s2, $0x0  }
0x51: {  	s3 =	rddreg [dreg:$0x2];
	[bflag:$0x3] =	sbarrier.arrive $0xFFFF;
	s2 =	simm.s32 @!p0 $0x1C01  }
0x52: {  	[timem:s3], [sflag:s2] =	dma.local @!p0 [hbm:s0], s1  }
0x53: {  	s0 =	simm.s32 @!p0 $0x1  }
0x54: {  	_ =	swait.ge @!p0 [sflag:s0], s1  }
0x55: {  	s1 =	ssub.s32 @!p0 $0x0, s1;
	[sflag:s0] =	ssyncset.done @!p0 $0x0  }
0x56: {  	[sflag:s0] =	ssyncadd.s32 @!p0 s1  }
0x57: {  	[bflag:$0x3] =	sbarrier.arrive $0xFFFF  }
0x58: {  	_ =	shalt  }

</sc_bundles>
